<compile_context>
chip_gen: v7x
topology: tpu7x:2x2x1
jax: 0.10.2.dev20260603
libtpu: 0.0.44.dev20260713+nightly
codegen_flags: <defaults>
</compile_context>

<pallas_src>
import functools

import jax
import jax.numpy as jnp
from jax.experimental import pallas as pl

_LAMBD = 0.5
_SIGMA = 0.35
_TEMP = 0.07
_TOP_P = 0.9
_TOP_K = 50
_NEG = -1e30
_KB = 2048
_QG = 8
_FOLD = 8
_REPAIR = 6


def _qnorm_body(q_ref, out_ref):
    q = q_ref[...]
    out_ref[...] = q / jnp.sqrt(
        jnp.maximum(jnp.sum(q * q, axis=1, keepdims=True), 1e-24))


def _sims_body(nk, qn_ref, qs_ref, cat_ref, cs_ref, out_ref):
    i = pl.program_id(0)
    qn = qn_ref[...]
    c = cat_ref[...]
    cn = c / jnp.sqrt(jnp.maximum(jnp.sum(c * c, axis=1, keepdims=True), 1e-24))
    row = i * _KB + jax.lax.broadcasted_iota(jnp.int32, (_KB, 1), 0)
    cn = jnp.where(row < nk, cn, 0.0)
    sem = jax.lax.dot_general(
        qn.astype(jnp.bfloat16), cn.astype(jnp.bfloat16),
        (((1,), (1,)), ((), ())),
        preferred_element_type=jnp.float32,
    )
    qs = qs_ref[...]
    cs = cs_ref[...]
    b2 = jnp.sum(qs * qs, axis=1, keepdims=True)
    ones = jnp.ones((qs.shape[0], 3), jnp.float32)
    a2 = jax.lax.dot_general(
        ones, cs * cs, (((1,), (1,)), ((), ())),
        preferred_element_type=jnp.float32,
        precision=jax.lax.Precision.HIGHEST,
    )
    dot = jax.lax.dot_general(
        qs.astype(jnp.bfloat16), cs.astype(jnp.bfloat16),
        (((1,), (1,)), ((), ())),
        preferred_element_type=jnp.float32,
    )
    d2 = a2 + b2 - 2.0 * dot
    size_sim = jnp.exp(d2 * (-1.0 / (2.0 * _SIGMA * _SIGMA)))
    logits = (_LAMBD * sem + (1.0 - _LAMBD) * size_sim) * (1.0 / _TEMP)
    col = i * _KB + jax.lax.broadcasted_iota(jnp.int32, logits.shape, 1)
    out_ref[...] = jnp.where(col < nk, logits, _NEG)


def _select_body(s_ref, out_ref):
    v = s_ref[...]
    qg, w = v.shape
    wf = w // _FOLD
    lane = jax.lax.broadcasted_iota(jnp.int32, (qg, 64), 1)

    h = jnp.maximum(v[:, :w // 2], v[:, w // 2:])
    h = jnp.maximum(h[:, :w // 4], h[:, w // 4:])
    l2 = jnp.maximum(h[:, :wf], h[:, wf:])

    def body(k, carry):
        mprev, acc = carry
        cand = jnp.where(l2 < mprev, l2, _NEG)
        m = jnp.max(cand, axis=1, keepdims=True)
        acc = jnp.where(lane == k, m, acc)
        return (m, acc)

    minit = jnp.full((qg, 1), jnp.inf, jnp.float32)
    macc = jnp.full((qg, 64), _NEG, jnp.float32)
    _, tops = jax.lax.fori_loop(0, _TOP_K, body, (minit, macc))

    def rbody(k, carry):
        mprev, acc = carry
        m = jnp.full((qg, 1), _NEG, jnp.float32)
        for s in range(_FOLD):
            vs = v[:, s * wf:(s + 1) * wf]
            cand = jnp.where((vs < l2) & (vs < mprev), vs, _NEG)
            m = jnp.maximum(m, jnp.max(cand, axis=1, keepdims=True))
        kc = jnp.sum((acc > m).astype(jnp.int32), axis=1, keepdims=True)
        rolled = jnp.concatenate([acc[:, :1], acc[:, :-1]], axis=1)
        acc = jnp.where(lane < kc, acc,
                        jnp.where(lane == kc, m, rolled))
        return (m, acc)

    _, tops = jax.lax.fori_loop(0, _REPAIR, rbody, (minit, tops))

    m1 = tops[:, 0:1]
    e = jnp.where(lane < _TOP_K, jnp.exp(tops - m1), 0.0)
    z = jnp.sum(e, axis=1, keepdims=True)
    r64 = jax.lax.broadcasted_iota(jnp.int32, (64, 64), 0)
    c64 = jax.lax.broadcasted_iota(jnp.int32, (64, 64), 1)
    tri = (r64 < c64).astype(jnp.float32)
    excl = jax.lax.dot_general(
        e, tri, (((1,), (0,)), ((), ())),
        preferred_element_type=jnp.float32,
        precision=jax.lax.Precision.HIGHEST,
    )
    keep = (excl <= _TOP_P * z) & (lane < _TOP_K)
    z2 = jnp.sum(jnp.where(keep, e, 0.0), axis=1, keepdims=True)
    tkeep = jnp.min(jnp.where(keep, tops, jnp.inf), axis=1, keepdims=True)
    out_ref[...] = jnp.where(v >= tkeep, jnp.exp(v - m1) / z2, 0.0)


def kernel(embeds, query_sizes, catalog_embeds, catalog_sizes):
    nq, dim = embeds.shape
    nk = catalog_embeds.shape[0]
    nblk = (nk + _KB - 1) // _KB
    kpad = nblk * _KB

    qn = pl.pallas_call(
        _qnorm_body,
        out_shape=jax.ShapeDtypeStruct((nq, dim), jnp.float32),
    )(embeds)

    sims = pl.pallas_call(
        functools.partial(_sims_body, nk),
        grid=(nblk,),
        in_specs=[
            pl.BlockSpec((nq, dim), lambda i: (0, 0)),
            pl.BlockSpec((nq, 3), lambda i: (0, 0)),
            pl.BlockSpec((_KB, dim), lambda i: (i, 0)),
            pl.BlockSpec((_KB, 3), lambda i: (i, 0)),
        ],
        out_specs=pl.BlockSpec((nq, _KB), lambda i: (0, i)),
        out_shape=jax.ShapeDtypeStruct((nq, kpad), jnp.float32),
    )(qn, query_sizes, catalog_embeds, catalog_sizes)

    probs = pl.pallas_call(
        _select_body,
        grid=(nq // _QG,),
        in_specs=[pl.BlockSpec((_QG, kpad), lambda i: (i, 0))],
        out_specs=pl.BlockSpec((_QG, kpad), lambda i: (i, 0)),
        out_shape=jax.ShapeDtypeStruct((nq, kpad), jnp.float32),
    )(sims)

    return probs[:, :nk]

# --- scband reference (transcript-rebuilt; emitter-appended) ---
"""Pipeline reference for scband-asset-retrieval-module-23699629539520 (READ-ONLY COPY).

The authoritative reference and input builder live on the scoring server;
editing this copy changes nothing except your own understanding.
"""

import jax, jax.numpy as jnp
import numpy as np

LAMBD = 0.5
SIGMA = 0.35
TEMP = 0.07
TOP_P = 0.9
TOP_K = 50


def setup_inputs(seed: int = 0) -> dict:
    key = jax.random.key(seed)
    k1, k2, k3, k4 = jax.random.split(key, 4)
    embeds = jax.random.normal(k1, (128, 1152), dtype=jnp.float32)
    query_sizes = jax.random.uniform(k2, (128, 3), dtype=jnp.float32) * 5.0
    catalog_embeds = jax.random.normal(k3, (100000, 1152), dtype=jnp.float32)
    catalog_sizes = jax.random.uniform(k4, (100000, 3), dtype=jnp.float32) * 5.0
    return {
        "embeds": embeds,
        "query_sizes": query_sizes,
        "catalog_embeds": catalog_embeds,
        "catalog_sizes": catalog_sizes,
    }


def _normalize(x):
    return x / jnp.clip(jnp.linalg.norm(x, axis=1, keepdims=True), 1e-12)


def _final_probs_single(s):
    # s: [K] similarity scores for a single query
    scaled = s / TEMP
    tk_vals, tk_idx = jax.lax.top_k(scaled, TOP_K)
    tk_probs = jax.nn.softmax(tk_vals)
    probs = jnp.zeros_like(scaled).at[tk_idx].set(tk_probs)
    probs = probs / probs.sum()
    order = jnp.argsort(-probs)
    sorted_probs = probs[order]
    cum = jnp.cumsum(sorted_probs)
    remove = cum > TOP_P
    remove = jnp.concatenate([jnp.zeros((1,), dtype=bool), remove[:-1]])
    kept = jnp.where(remove, 0.0, sorted_probs)
    probs = jnp.zeros_like(probs).at[order].set(kept)
    probs = probs / probs.sum()
    return probs


def reference(embeds, query_sizes, catalog_embeds, catalog_sizes):
    # semantic similarities: normalized catalog @ normalized query embeds -> [K, Q]
    cat = _normalize(catalog_embeds)
    q = _normalize(embeds)
    sem = cat @ q.T
    # size similarities: RBF kernel on squared L2 distance of 3D sizes -> [K, Q]
    a2 = jnp.sum(catalog_sizes ** 2, axis=1)
    b2 = jnp.sum(query_sizes ** 2, axis=1)
    size_diffs = a2[:, None] + b2[None, :] - 2.0 * (catalog_sizes @ query_sizes.T)
    size_sim = jnp.exp(-size_diffs / (2.0 * SIGMA ** 2))
    # combine semantic and size similarities
    sims = LAMBD * sem + (1.0 - LAMBD) * size_sim  # [K, Q]
    # per-query top-k softmax + top-p nucleus filtering (torch loops over sims.T)
    probs = jax.vmap(_final_probs_single, in_axes=1, out_axes=0)(sims)  # [Q, K]
    return probs

if __name__ == "__main__":
    import jax
    _d = setup_inputs()
    print(jax.jit(kernel)(*tuple(_d.values())))

</pallas_src>

<mosaic_0001>
module attributes {stable_mosaic.version = 14 : i64} {
  func.func @_qnorm_body(%arg0: memref<128x1152xf32, #tpu.memory_space<vmem>>, %arg1: memref<128x1152xf32, #tpu.memory_space<vmem>>) attributes {dimension_semantics = [], scalar_prefetch = 0 : i64, scratch_operands = 0 : i64, tpu.core_type = #tpu.core_type<tc>} {
    %get3A = arith.constant 0 : index
    %get3A_0 = arith.constant 0 : index
    %get3A_1 = vector.load %arg0[%get3A, %get3A_0] : memref<128x1152xf32, #tpu.memory_space<vmem>>, vector<128x1152xf32>
    %mul3A = arith.mulf %get3A_1, %get3A_1 : vector<128x1152xf32>
    %reduce_sum3A = arith.constant dense<0.000000e+00> : vector<128xf32>
    %reduce_sum3A_2 = vector.multi_reduction <add>, %mul3A, %reduce_sum3A [1] : vector<128x1152xf32> to vector<128xf32>
    %broadcast_in_dim3A = vector.shape_cast %reduce_sum3A_2 : vector<128xf32> to vector<128x1xf32>
    %max3A = arith.constant 1.000000e-24 : f32
    %max3A_3 = vector.broadcast %max3A : f32 to vector<128x1xf32>
    %max3A_4 = arith.maximumf %broadcast_in_dim3A, %max3A_3 : vector<128x1xf32>
    %sqrt3A = math.sqrt %max3A_4 : vector<128x1xf32>
    %div3A = vector.broadcast %sqrt3A : vector<128x1xf32> to vector<128x1152xf32>
    %div3A_5 = arith.divf %get3A_1, %div3A : vector<128x1152xf32>
    %swap3A = arith.constant 0 : index
    %swap3A_6 = arith.constant 0 : index
    %swap3A_7 = vector.load %arg1[%swap3A, %swap3A_6] : memref<128x1152xf32, #tpu.memory_space<vmem>>, vector<128x1152xf32>
    tpu.vector_store %arg1[%swap3A, %swap3A_6], %div3A_5 {strides = array<i32>} : memref<128x1152xf32, #tpu.memory_space<vmem>>, vector<128x1152xf32>,
    return
  }
}

module attributes {stable_mosaic.version = 14 : i64} {
  func.func @_sims_body(%arg0: i32, %arg1: memref<128x1152xf32, #tpu.memory_space<vmem>>, %arg2: memref<128x3xf32, #tpu.memory_space<vmem>>, %arg3: memref<2048x1152xf32, #tpu.memory_space<vmem>>, %arg4: memref<2048x3xf32, #tpu.memory_space<vmem>>, %arg5: memref<128x2048xf32, #tpu.memory_space<vmem>>) attributes {dimension_semantics = [#tpu.dimension_semantics<arbitrary>], iteration_bounds = array<i64: 49>, scalar_prefetch = 0 : i64, scratch_operands = 0 : i64, tpu.core_type = #tpu.core_type<tc>, window_params = [{pipeline_mode = #tpu.pipeline_mode<synchronous>, transform_indices = @transform_0, window_bounds = array<i64: 128, 1152>}, {pipeline_mode = #tpu.pipeline_mode<synchronous>, transform_indices = @transform_1, window_bounds = array<i64: 128, 3>}, {transform_indices = @transform_2, window_bounds = array<i64: 2048, 1152>}, {transform_indices = @transform_3, window_bounds = array<i64: 2048, 3>}, {transform_indices = @transform_4, window_bounds = array<i64: 128, 2048>}]} {
    %get3A = arith.constant 0 : index
    %get3A_0 = arith.constant 0 : index
    %get3A_1 = vector.load %arg1[%get3A, %get3A_0] : memref<128x1152xf32, #tpu.memory_space<vmem>>, vector<128x1152xf32>
    %get3A_2 = arith.constant 0 : index
    %get3A_3 = arith.constant 0 : index
    %get3A_4 = vector.load %arg3[%get3A_2, %get3A_3] : memref<2048x1152xf32, #tpu.memory_space<vmem>>, vector<2048x1152xf32>
    %mul3A = arith.mulf %get3A_4, %get3A_4 : vector<2048x1152xf32>
    %reduce_sum3A = arith.constant dense<0.000000e+00> : vector<2048xf32>
    %reduce_sum3A_5 = vector.multi_reduction <add>, %mul3A, %reduce_sum3A [1] : vector<2048x1152xf32> to vector<2048xf32>
    %broadcast_in_dim3A = vector.shape_cast %reduce_sum3A_5 : vector<2048xf32> to vector<2048x1xf32>
    %max3A = arith.constant 1.000000e-24 : f32
    %max3A_6 = vector.broadcast %max3A : f32 to vector<2048x1xf32>
    %max3A_7 = arith.maximumf %broadcast_in_dim3A, %max3A_6 : vector<2048x1xf32>
    %sqrt3A = math.sqrt %max3A_7 : vector<2048x1xf32>
    %div3A = vector.broadcast %sqrt3A : vector<2048x1xf32> to vector<2048x1152xf32>
    %div3A_8 = arith.divf %get3A_4, %div3A : vector<2048x1152xf32>
    %mul3A_9 = arith.constant 2048 : i32
    %mul3A_10 = arith.muli %arg0, %mul3A_9 : i32
    %iota3A = tpu.iota {dimensions = array<i32: 0>} : vector<2048x1xi32>
    %add3A = vector.broadcast %mul3A_10 : i32 to vector<2048x1xi32>
    %add3A_11 = arith.addi %add3A, %iota3A : vector<2048x1xi32>
    %lt3A = arith.constant 100000 : i32
    %lt3A_12 = vector.broadcast %lt3A : i32 to vector<2048x1xi32>
    %lt3A_13 = arith.cmpi slt, %add3A_11, %lt3A_12 : vector<2048x1xi32>
    %jit3A = arith.constant 0.000000e+00 : f32
    %broadcast_in_dim3A_14 = vector.shape_cast %lt3A_13 : vector<2048x1xi1> to vector<2048x1xi1>
    %broadcast_in_dim3A_15 = vector.broadcast %broadcast_in_dim3A_14 : vector<2048x1xi1> to vector<2048x1152xi1>
    %broadcast_in_dim3A_16 = vector.broadcast %jit3A : f32 to vector<2048x1152xf32>
    %select_n3A = arith.select %broadcast_in_dim3A_15, %div3A_8, %broadcast_in_dim3A_16 : vector<2048x1152xi1>, vector<2048x1152xf32>
    %convert_element_type3A = arith.truncf %get3A_1 : vector<128x1152xf32> to vector<128x1152xbf16>
    %convert_element_type3A_17 = arith.truncf %select_n3A : vector<2048x1152xf32> to vector<2048x1152xbf16>
    %dot_general3A = arith.constant dense<0.000000e+00> : vector<128x2048xf32>
    %dot_general3A_18 = tpu.matmul %convert_element_type3A, %convert_element_type3A_17, %dot_general3A {dimension_numbers = #tpu.dot_dimension_numbers<[1], [1], [0], [0], [0, 0, 1, 0], [], []>, transpose_lhs_hint = false} : vector<128x1152xbf16>, vector<2048x1152xbf16>, vector<128x2048xf32> -> vector<128x2048xf32>
    %get3A_19 = arith.constant 0 : index
    %get3A_20 = arith.constant 0 : index
    %get3A_21 = vector.load %arg2[%get3A_19, %get3A_20] : memref<128x3xf32, #tpu.memory_space<vmem>>, vector<128x3xf32>
    %get3A_22 = arith.constant 0 : index
    %get3A_23 = arith.constant 0 : index
    %get3A_24 = vector.load %arg4[%get3A_22, %get3A_23] : memref<2048x3xf32, #tpu.memory_space<vmem>>, vector<2048x3xf32>
    %mul3A_25 = arith.mulf %get3A_21, %get3A_21 : vector<128x3xf32>
    %reduce_sum3A_26 = arith.constant dense<0.000000e+00> : vector<128xf32>
    %reduce_sum3A_27 = vector.multi_reduction <add>, %mul3A_25, %reduce_sum3A_26 [1] : vector<128x3xf32> to vector<128xf32>
    %broadcast_in_dim3A_28 = vector.shape_cast %reduce_sum3A_27 : vector<128xf32> to vector<128x1xf32>
    %broadcast_in_dim3A_29 = arith.constant 1.000000e+00 : f32
    %broadcast_in_dim3A_30 = vector.broadcast %broadcast_in_dim3A_29 : f32 to vector<128x3xf32>
    %mul3A_31 = arith.mulf %get3A_24, %get3A_24 : vector<2048x3xf32>
    %dot_general3A_32 = arith.constant dense<0.000000e+00> : vector<128x2048xf32>
    %dot_general3A_33 = tpu.matmul %broadcast_in_dim3A_30, %mul3A_31, %dot_general3A_32 {dimension_numbers = #tpu.dot_dimension_numbers<[1], [1], [0], [0], [0, 0, 1, 0], [], []>, precision = #tpu.contract_precision<fp32>, transpose_lhs_hint = false} : vector<128x3xf32>, vector<2048x3xf32>, vector<128x2048xf32> -> vector<128x2048xf32>
    %convert_element_type3A_34 = arith.truncf %get3A_21 : vector<128x3xf32> to vector<128x3xbf16>
    %convert_element_type3A_35 = arith.truncf %get3A_24 : vector<2048x3xf32> to vector<2048x3xbf16>
    %dot_general3A_36 = arith.constant dense<0.000000e+00> : vector<128x2048xf32>
    %dot_general3A_37 = tpu.matmul %convert_element_type3A_34, %convert_element_type3A_35, %dot_general3A_36 {dimension_numbers = #tpu.dot_dimension_numbers<[1], [1], [0], [0], [0, 0, 1, 0], [], []>, transpose_lhs_hint = false} : vector<128x3xbf16>, vector<2048x3xbf16>, vector<128x2048xf32> -> vector<128x2048xf32>
    %add3A_38 = vector.broadcast %broadcast_in_dim3A_28 : vector<128x1xf32> to vector<128x2048xf32>
    %add3A_39 = arith.addf %dot_general3A_33, %add3A_38 : vector<128x2048xf32>
    %mul3A_40 = arith.constant 2.000000e+00 : f32
    %mul3A_41 = vector.broadcast %mul3A_40 : f32 to vector<128x2048xf32>
    %mul3A_42 = arith.mulf %mul3A_41, %dot_general3A_37 : vector<128x2048xf32>
    %sub3A = arith.subf %add3A_39, %mul3A_42 : vector<128x2048xf32>
    %mul3A_43 = arith.constant -4.08163261 : f32
    %mul3A_44 = vector.broadcast %mul3A_43 : f32 to vector<128x2048xf32>
    %mul3A_45 = arith.mulf %sub3A, %mul3A_44 : vector<128x2048xf32>
    %exp3A = math.exp %mul3A_45 : vector<128x2048xf32>
    %mul3A_46 = arith.constant 5.000000e-01 : f32
    %mul3A_47 = vector.broadcast %mul3A_46 : f32 to vector<128x2048xf32>
    %mul3A_48 = arith.mulf %mul3A_47, %dot_general3A_18 : vector<128x2048xf32>
    %mul3A_49 = arith.constant 5.000000e-01 : f32
    %mul3A_50 = vector.broadcast %mul3A_49 : f32 to vector<128x2048xf32>
    %mul3A_51 = arith.mulf %mul3A_50, %exp3A : vector<128x2048xf32>
    %add3A_52 = arith.addf %mul3A_48, %mul3A_51 : vector<128x2048xf32>
    %mul3A_53 = arith.constant 14.2857141 : f32
    %mul3A_54 = vector.broadcast %mul3A_53 : f32 to vector<128x2048xf32>
    %mul3A_55 = arith.mulf %add3A_52, %mul3A_54 : vector<128x2048xf32>
    %mul3A_56 = arith.constant 2048 : i32
    %mul3A_57 = arith.muli %arg0, %mul3A_56 : i32
    %iota3A_58 = tpu.iota {dimensions = array<i32: 1>} : vector<128x2048xi32>
    %add3A_59 = vector.broadcast %mul3A_57 : i32 to vector<128x2048xi32>
    %add3A_60 = arith.addi %add3A_59, %iota3A_58 : vector<128x2048xi32>
    %lt3A_61 = arith.constant 100000 : i32
    %lt3A_62 = vector.broadcast %lt3A_61 : i32 to vector<128x2048xi32>
    %lt3A_63 = arith.cmpi slt, %add3A_60, %lt3A_62 : vector<128x2048xi32>
    %jit3A_64 = arith.constant -1.000000e+30 : f32
    %broadcast_in_dim3A_65 = vector.broadcast %jit3A_64 : f32 to vector<128x2048xf32>
    %select_n3A_66 = arith.select %lt3A_63, %mul3A_55, %broadcast_in_dim3A_65 : vector<128x2048xi1>, vector<128x2048xf32>
    %swap3A = arith.constant 0 : index
    %swap3A_67 = arith.constant 0 : index
    %swap3A_68 = vector.load %arg5[%swap3A, %swap3A_67] : memref<128x2048xf32, #tpu.memory_space<vmem>>, vector<128x2048xf32>
    tpu.vector_store %arg5[%swap3A, %swap3A_67], %select_n3A_66 {strides = array<i32>} : memref<128x2048xf32, #tpu.memory_space<vmem>>, vector<128x2048xf32>,
    return
  }
  func.func @transform_0(%arg0: i32) -> (i32, i32) {
    %c0_i32 = arith.constant 0 : i32
    %c0_i32_0 = arith.constant 0 : i32
    %c0_i32_1 = arith.constant 0 : i32
    return %c0_i32, %c0_i32_0 : i32, i32
  }
  func.func @transform_1(%arg0: i32) -> (i32, i32) {
    %c0_i32 = arith.constant 0 : i32
    %c0_i32_0 = arith.constant 0 : i32
    %c0_i32_1 = arith.constant 0 : i32
    return %c0_i32, %c0_i32_0 : i32, i32
  }
  func.func @transform_2(%arg0: i32) -> (i32, i32) {
    %c0_i32 = arith.constant 0 : i32
    %c0_i32_0 = arith.constant 0 : i32
    return %arg0, %c0_i32 : i32, i32
  }
  func.func @transform_3(%arg0: i32) -> (i32, i32) {
    %c0_i32 = arith.constant 0 : i32
    %c0_i32_0 = arith.constant 0 : i32
    return %arg0, %c0_i32 : i32, i32
  }
  func.func @transform_4(%arg0: i32) -> (i32, i32) {
    %c0_i32 = arith.constant 0 : i32
    %c0_i32_0 = arith.constant 0 : i32
    return %c0_i32, %arg0 : i32, i32
  }
}

module attributes {stable_mosaic.version = 14 : i64} {
  func.func @_select_body(%arg0: i32, %arg1: memref<8x100352xf32, #tpu.memory_space<vmem>>, %arg2: memref<8x100352xf32, #tpu.memory_space<vmem>>) attributes {dimension_semantics = [#tpu.dimension_semantics<arbitrary>], iteration_bounds = array<i64: 16>, scalar_prefetch = 0 : i64, scratch_operands = 0 : i64, tpu.core_type = #tpu.core_type<tc>, window_params = [{transform_indices = @transform_0, window_bounds = array<i64: 8, 100352>}, {transform_indices = @transform_1, window_bounds = array<i64: 8, 100352>}]} {
    %get3A = arith.constant 0 : index
    %get3A_0 = arith.constant 0 : index
    %get3A_1 = vector.load %arg1[%get3A, %get3A_0] : memref<8x100352xf32, #tpu.memory_space<vmem>>, vector<8x100352xf32>
    %iota3A = tpu.iota {dimensions = array<i32: 1>} : vector<8x64xi32>
    %slice3A = vector.extract_strided_slice %get3A_1 {offsets = [0, 0], sizes = [8, 50176], strides = [1, 1]} : vector<8x100352xf32> to vector<8x50176xf32>
    %slice3A_2 = vector.extract_strided_slice %get3A_1 {offsets = [0, 50176], sizes = [8, 50176], strides = [1, 1]} : vector<8x100352xf32> to vector<8x50176xf32>
    %max3A = arith.maximumf %slice3A, %slice3A_2 : vector<8x50176xf32>
    %slice3A_3 = vector.extract_strided_slice %max3A {offsets = [0, 0], sizes = [8, 25088], strides = [1, 1]} : vector<8x50176xf32> to vector<8x25088xf32>
    %slice3A_4 = vector.extract_strided_slice %max3A {offsets = [0, 25088], sizes = [8, 25088], strides = [1, 1]} : vector<8x50176xf32> to vector<8x25088xf32>
    %max3A_5 = arith.maximumf %slice3A_3, %slice3A_4 : vector<8x25088xf32>
    %slice3A_6 = vector.extract_strided_slice %max3A_5 {offsets = [0, 0], sizes = [8, 12544], strides = [1, 1]} : vector<8x25088xf32> to vector<8x12544xf32>
    %slice3A_7 = vector.extract_strided_slice %max3A_5 {offsets = [0, 12544], sizes = [8, 12544], strides = [1, 1]} : vector<8x25088xf32> to vector<8x12544xf32>
    %max3A_8 = arith.maximumf %slice3A_6, %slice3A_7 : vector<8x12544xf32>
    %broadcast_in_dim3A = arith.constant 0x7F800000 : f32
    %broadcast_in_dim3A_9 = vector.broadcast %broadcast_in_dim3A : f32 to vector<8x1xf32>
    %broadcast_in_dim3A_10 = arith.constant -1.000000e+30 : f32
    %broadcast_in_dim3A_11 = vector.broadcast %broadcast_in_dim3A_10 : f32 to vector<8x64xf32>
    %scan3A = arith.constant 0 : i32
    %scan3A_12 = arith.constant 50 : i32
    %scan3A_13 = arith.addi %scan3A, %scan3A_12 : i32
    %scan3A_14 = arith.constant 1 : i32
    %scan3A_15:2 = scf.for %scan3A_61 = %scan3A to %scan3A_13 step %scan3A_14 iter_args(%scan3A_62 = %broadcast_in_dim3A_9, %scan3A_63 = %broadcast_in_dim3A_11) -> (vector<8x1xf32>, vector<8x64xf32>)  : i32 {
      %lt3A_64 = vector.broadcast %scan3A_62 : vector<8x1xf32> to vector<8x12544xf32>
      %lt3A_65 = arith.cmpf olt, %max3A_8, %lt3A_64 : vector<8x12544xf32>
      %jit3A_66 = arith.constant -1.000000e+30 : f32
      %broadcast_in_dim3A_67 = vector.broadcast %jit3A_66 : f32 to vector<8x12544xf32>
      %select_n3A_68 = arith.select %lt3A_65, %max3A_8, %broadcast_in_dim3A_67 : vector<8x12544xi1>, vector<8x12544xf32>
      %reduce_max3A = arith.constant dense<0xFF800000> : vector<8xf32>
      %reduce_max3A_69 = vector.multi_reduction <maximumf>, %select_n3A_68, %reduce_max3A [1] : vector<8x12544xf32> to vector<8xf32>
      %broadcast_in_dim3A_70 = vector.shape_cast %reduce_max3A_69 : vector<8xf32> to vector<8x1xf32>
      %eq3A = vector.broadcast %scan3A_61 : i32 to vector<8x64xi32>
      %eq3A_71 = arith.cmpi eq, %iota3A, %eq3A : vector<8x64xi32>
      %broadcast_in_dim3A_72 = vector.shape_cast %broadcast_in_dim3A_70 : vector<8x1xf32> to vector<8x1xf32>
      %broadcast_in_dim3A_73 = vector.broadcast %broadcast_in_dim3A_72 : vector<8x1xf32> to vector<8x64xf32>
      %select_n3A_74 = arith.select %eq3A_71, %broadcast_in_dim3A_73, %scan3A_63 : vector<8x64xi1>, vector<8x64xf32>
      scf.yield %broadcast_in_dim3A_70, %select_n3A_74 : vector<8x1xf32>, vector<8x64xf32>
    }
    %scan3A_16 = arith.constant 50 : i32
    %scan3A_17 = arith.constant 0 : i32
    %scan3A_18 = arith.constant 6 : i32
    %scan3A_19 = arith.addi %scan3A_17, %scan3A_18 : i32
    %scan3A_20 = arith.constant 1 : i32
    %scan3A_21:2 = scf.for %scan3A_61 = %scan3A_17 to %scan3A_19 step %scan3A_20 iter_args(%scan3A_62 = %broadcast_in_dim3A_9, %scan3A_63 = %scan3A_15#1) -> (vector<8x1xf32>, vector<8x64xf32>)  : i32 {
      %broadcast_in_dim3A_64 = arith.constant -1.000000e+30 : f32
      %broadcast_in_dim3A_65 = vector.broadcast %broadcast_in_dim3A_64 : f32 to vector<8x1xf32>
      %slice3A_66 = vector.extract_strided_slice %get3A_1 {offsets = [0, 0], sizes = [8, 12544], strides = [1, 1]} : vector<8x100352xf32> to vector<8x12544xf32>
      %lt3A_67 = arith.cmpf olt, %slice3A_66, %max3A_8 : vector<8x12544xf32>
      %lt3A_68 = vector.broadcast %scan3A_62 : vector<8x1xf32> to vector<8x12544xf32>
      %lt3A_69 = arith.cmpf olt, %slice3A_66, %lt3A_68 : vector<8x12544xf32>
      %and3A_70 = arith.andi %lt3A_67, %lt3A_69 : vector<8x12544xi1>
      %jit3A_71 = arith.constant -1.000000e+30 : f32
      %broadcast_in_dim3A_72 = vector.broadcast %jit3A_71 : f32 to vector<8x12544xf32>
      %select_n3A_73 = arith.select %and3A_70, %slice3A_66, %broadcast_in_dim3A_72 : vector<8x12544xi1>, vector<8x12544xf32>
      %reduce_max3A = arith.constant dense<0xFF800000> : vector<8xf32>
      %reduce_max3A_74 = vector.multi_reduction <maximumf>, %select_n3A_73, %reduce_max3A [1] : vector<8x12544xf32> to vector<8xf32>
      %broadcast_in_dim3A_75 = vector.shape_cast %reduce_max3A_74 : vector<8xf32> to vector<8x1xf32>
      %max3A_76 = arith.maximumf %broadcast_in_dim3A_65, %broadcast_in_dim3A_75 : vector<8x1xf32>
      %slice3A_77 = vector.extract_strided_slice %get3A_1 {offsets = [0, 12544], sizes = [8, 12544], strides = [1, 1]} : vector<8x100352xf32> to vector<8x12544xf32>
      %lt3A_78 = arith.cmpf olt, %slice3A_77, %max3A_8 : vector<8x12544xf32>
      %lt3A_79 = vector.broadcast %scan3A_62 : vector<8x1xf32> to vector<8x12544xf32>
      %lt3A_80 = arith.cmpf olt, %slice3A_77, %lt3A_79 : vector<8x12544xf32>
      %and3A_81 = arith.andi %lt3A_78, %lt3A_80 : vector<8x12544xi1>
      %jit3A_82 = arith.constant -1.000000e+30 : f32
      %broadcast_in_dim3A_83 = vector.broadcast %jit3A_82 : f32 to vector<8x12544xf32>
      %select_n3A_84 = arith.select %and3A_81, %slice3A_77, %broadcast_in_dim3A_83 : vector<8x12544xi1>, vector<8x12544xf32>
      %reduce_max3A_85 = arith.constant dense<0xFF800000> : vector<8xf32>
      %reduce_max3A_86 = vector.multi_reduction <maximumf>, %select_n3A_84, %reduce_max3A_85 [1] : vector<8x12544xf32> to vector<8xf32>
      %broadcast_in_dim3A_87 = vector.shape_cast %reduce_max3A_86 : vector<8xf32> to vector<8x1xf32>
      %max3A_88 = arith.maximumf %max3A_76, %broadcast_in_dim3A_87 : vector<8x1xf32>
      %slice3A_89 = vector.extract_strided_slice %get3A_1 {offsets = [0, 25088], sizes = [8, 12544], strides = [1, 1]} : vector<8x100352xf32> to vector<8x12544xf32>
      %lt3A_90 = arith.cmpf olt, %slice3A_89, %max3A_8 : vector<8x12544xf32>
      %lt3A_91 = vector.broadcast %scan3A_62 : vector<8x1xf32> to vector<8x12544xf32>
      %lt3A_92 = arith.cmpf olt, %slice3A_89, %lt3A_91 : vector<8x12544xf32>
      %and3A_93 = arith.andi %lt3A_90, %lt3A_92 : vector<8x12544xi1>
      %jit3A_94 = arith.constant -1.000000e+30 : f32
      %broadcast_in_dim3A_95 = vector.broadcast %jit3A_94 : f32 to vector<8x12544xf32>
      %select_n3A_96 = arith.select %and3A_93, %slice3A_89, %broadcast_in_dim3A_95 : vector<8x12544xi1>, vector<8x12544xf32>
      %reduce_max3A_97 = arith.constant dense<0xFF800000> : vector<8xf32>
      %reduce_max3A_98 = vector.multi_reduction <maximumf>, %select_n3A_96, %reduce_max3A_97 [1] : vector<8x12544xf32> to vector<8xf32>
      %broadcast_in_dim3A_99 = vector.shape_cast %reduce_max3A_98 : vector<8xf32> to vector<8x1xf32>
      %max3A_100 = arith.maximumf %max3A_88, %broadcast_in_dim3A_99 : vector<8x1xf32>
      %slice3A_101 = vector.extract_strided_slice %get3A_1 {offsets = [0, 37632], sizes = [8, 12544], strides = [1, 1]} : vector<8x100352xf32> to vector<8x12544xf32>
      %lt3A_102 = arith.cmpf olt, %slice3A_101, %max3A_8 : vector<8x12544xf32>
      %lt3A_103 = vector.broadcast %scan3A_62 : vector<8x1xf32> to vector<8x12544xf32>
      %lt3A_104 = arith.cmpf olt, %slice3A_101, %lt3A_103 : vector<8x12544xf32>
      %and3A_105 = arith.andi %lt3A_102, %lt3A_104 : vector<8x12544xi1>
      %jit3A_106 = arith.constant -1.000000e+30 : f32
      %broadcast_in_dim3A_107 = vector.broadcast %jit3A_106 : f32 to vector<8x12544xf32>
      %select_n3A_108 = arith.select %and3A_105, %slice3A_101, %broadcast_in_dim3A_107 : vector<8x12544xi1>, vector<8x12544xf32>
      %reduce_max3A_109 = arith.constant dense<0xFF800000> : vector<8xf32>
      %reduce_max3A_110 = vector.multi_reduction <maximumf>, %select_n3A_108, %reduce_max3A_109 [1] : vector<8x12544xf32> to vector<8xf32>
      %broadcast_in_dim3A_111 = vector.shape_cast %reduce_max3A_110 : vector<8xf32> to vector<8x1xf32>
      %max3A_112 = arith.maximumf %max3A_100, %broadcast_in_dim3A_111 : vector<8x1xf32>
      %slice3A_113 = vector.extract_strided_slice %get3A_1 {offsets = [0, 50176], sizes = [8, 12544], strides = [1, 1]} : vector<8x100352xf32> to vector<8x12544xf32>
      %lt3A_114 = arith.cmpf olt, %slice3A_113, %max3A_8 : vector<8x12544xf32>
      %lt3A_115 = vector.broadcast %scan3A_62 : vector<8x1xf32> to vector<8x12544xf32>
      %lt3A_116 = arith.cmpf olt, %slice3A_113, %lt3A_115 : vector<8x12544xf32>
      %and3A_117 = arith.andi %lt3A_114, %lt3A_116 : vector<8x12544xi1>
      %jit3A_118 = arith.constant -1.000000e+30 : f32
      %broadcast_in_dim3A_119 = vector.broadcast %jit3A_118 : f32 to vector<8x12544xf32>
      %select_n3A_120 = arith.select %and3A_117, %slice3A_113, %broadcast_in_dim3A_119 : vector<8x12544xi1>, vector<8x12544xf32>
      %reduce_max3A_121 = arith.constant dense<0xFF800000> : vector<8xf32>
      %reduce_max3A_122 = vector.multi_reduction <maximumf>, %select_n3A_120, %reduce_max3A_121 [1] : vector<8x12544xf32> to vector<8xf32>
      %broadcast_in_dim3A_123 = vector.shape_cast %reduce_max3A_122 : vector<8xf32> to vector<8x1xf32>
      %max3A_124 = arith.maximumf %max3A_112, %broadcast_in_dim3A_123 : vector<8x1xf32>
      %slice3A_125 = vector.extract_strided_slice %get3A_1 {offsets = [0, 62720], sizes = [8, 12544], strides = [1, 1]} : vector<8x100352xf32> to vector<8x12544xf32>
      %lt3A_126 = arith.cmpf olt, %slice3A_125, %max3A_8 : vector<8x12544xf32>
      %lt3A_127 = vector.broadcast %scan3A_62 : vector<8x1xf32> to vector<8x12544xf32>
      %lt3A_128 = arith.cmpf olt, %slice3A_125, %lt3A_127 : vector<8x12544xf32>
      %and3A_129 = arith.andi %lt3A_126, %lt3A_128 : vector<8x12544xi1>
      %jit3A_130 = arith.constant -1.000000e+30 : f32
      %broadcast_in_dim3A_131 = vector.broadcast %jit3A_130 : f32 to vector<8x12544xf32>
      %select_n3A_132 = arith.select %and3A_129, %slice3A_125, %broadcast_in_dim3A_131 : vector<8x12544xi1>, vector<8x12544xf32>
      %reduce_max3A_133 = arith.constant dense<0xFF800000> : vector<8xf32>
      %reduce_max3A_134 = vector.multi_reduction <maximumf>, %select_n3A_132, %reduce_max3A_133 [1] : vector<8x12544xf32> to vector<8xf32>
      %broadcast_in_dim3A_135 = vector.shape_cast %reduce_max3A_134 : vector<8xf32> to vector<8x1xf32>
      %max3A_136 = arith.maximumf %max3A_124, %broadcast_in_dim3A_135 : vector<8x1xf32>
      %slice3A_137 = vector.extract_strided_slice %get3A_1 {offsets = [0, 75264], sizes = [8, 12544], strides = [1, 1]} : vector<8x100352xf32> to vector<8x12544xf32>
      %lt3A_138 = arith.cmpf olt, %slice3A_137, %max3A_8 : vector<8x12544xf32>
      %lt3A_139 = vector.broadcast %scan3A_62 : vector<8x1xf32> to vector<8x12544xf32>
      %lt3A_140 = arith.cmpf olt, %slice3A_137, %lt3A_139 : vector<8x12544xf32>
      %and3A_141 = arith.andi %lt3A_138, %lt3A_140 : vector<8x12544xi1>
      %jit3A_142 = arith.constant -1.000000e+30 : f32
      %broadcast_in_dim3A_143 = vector.broadcast %jit3A_142 : f32 to vector<8x12544xf32>
      %select_n3A_144 = arith.select %and3A_141, %slice3A_137, %broadcast_in_dim3A_143 : vector<8x12544xi1>, vector<8x12544xf32>
      %reduce_max3A_145 = arith.constant dense<0xFF800000> : vector<8xf32>
      %reduce_max3A_146 = vector.multi_reduction <maximumf>, %select_n3A_144, %reduce_max3A_145 [1] : vector<8x12544xf32> to vector<8xf32>
      %broadcast_in_dim3A_147 = vector.shape_cast %reduce_max3A_146 : vector<8xf32> to vector<8x1xf32>
      %max3A_148 = arith.maximumf %max3A_136, %broadcast_in_dim3A_147 : vector<8x1xf32>
      %slice3A_149 = vector.extract_strided_slice %get3A_1 {offsets = [0, 87808], sizes = [8, 12544], strides = [1, 1]} : vector<8x100352xf32> to vector<8x12544xf32>
      %lt3A_150 = arith.cmpf olt, %slice3A_149, %max3A_8 : vector<8x12544xf32>
      %lt3A_151 = vector.broadcast %scan3A_62 : vector<8x1xf32> to vector<8x12544xf32>
      %lt3A_152 = arith.cmpf olt, %slice3A_149, %lt3A_151 : vector<8x12544xf32>
      %and3A_153 = arith.andi %lt3A_150, %lt3A_152 : vector<8x12544xi1>
      %jit3A_154 = arith.constant -1.000000e+30 : f32
      %broadcast_in_dim3A_155 = vector.broadcast %jit3A_154 : f32 to vector<8x12544xf32>
      %select_n3A_156 = arith.select %and3A_153, %slice3A_149, %broadcast_in_dim3A_155 : vector<8x12544xi1>, vector<8x12544xf32>
      %reduce_max3A_157 = arith.constant dense<0xFF800000> : vector<8xf32>
      %reduce_max3A_158 = vector.multi_reduction <maximumf>, %select_n3A_156, %reduce_max3A_157 [1] : vector<8x12544xf32> to vector<8xf32>
      %broadcast_in_dim3A_159 = vector.shape_cast %reduce_max3A_158 : vector<8xf32> to vector<8x1xf32>
      %max3A_160 = arith.maximumf %max3A_148, %broadcast_in_dim3A_159 : vector<8x1xf32>
      %gt3A = vector.broadcast %max3A_160 : vector<8x1xf32> to vector<8x64xf32>
      %gt3A_161 = arith.cmpf ogt, %scan3A_63, %gt3A : vector<8x64xf32>
      %convert_element_type3A_162 = arith.extui %gt3A_161 : vector<8x64xi1> to vector<8x64xi32>
      %reduce_sum3A_163 = arith.constant dense<0> : vector<8xi32>
      %reduce_sum3A_164 = vector.multi_reduction <add>, %convert_element_type3A_162, %reduce_sum3A_163 [1] : vector<8x64xi32> to vector<8xi32>
      %broadcast_in_dim3A_165 = vector.shape_cast %reduce_sum3A_164 : vector<8xi32> to vector<8x1xi32>
      %slice3A_166 = vector.extract_strided_slice %scan3A_63 {offsets = [0, 0], sizes = [8, 1], strides = [1, 1]} : vector<8x64xf32> to vector<8x1xf32>
      %slice3A_167 = vector.extract_strided_slice %scan3A_63 {offsets = [0, 0], sizes = [8, 63], strides = [1, 1]} : vector<8x64xf32> to vector<8x63xf32>
      %concatenate3A = tpu.concatenate %slice3A_166, %slice3A_167 in 1 : vector<8x1xf32>, vector<8x63xf32> -> vector<8x64xf32>
      %lt3A_168 = vector.broadcast %broadcast_in_dim3A_165 : vector<8x1xi32> to vector<8x64xi32>
      %lt3A_169 = arith.cmpi slt, %iota3A, %lt3A_168 : vector<8x64xi32>
      %eq3A = vector.broadcast %broadcast_in_dim3A_165 : vector<8x1xi32> to vector<8x64xi32>
      %eq3A_170 = arith.cmpi eq, %iota3A, %eq3A : vector<8x64xi32>
      %broadcast_in_dim3A_171 = vector.shape_cast %max3A_160 : vector<8x1xf32> to vector<8x1xf32>
      %broadcast_in_dim3A_172 = vector.broadcast %broadcast_in_dim3A_171 : vector<8x1xf32> to vector<8x64xf32>
      %select_n3A_173 = arith.select %eq3A_170, %broadcast_in_dim3A_172, %concatenate3A : vector<8x64xi1>, vector<8x64xf32>
      %select_n3A_174 = arith.select %lt3A_169, %scan3A_63, %select_n3A_173 : vector<8x64xi1>, vector<8x64xf32>
      scf.yield %max3A_160, %select_n3A_174 : vector<8x1xf32>, vector<8x64xf32>
    }
    %slice3A_22 = vector.extract_strided_slice %scan3A_21#1 {offsets = [0, 0], sizes = [8, 1], strides = [1, 1]} : vector<8x64xf32> to vector<8x1xf32>
    %lt3A = arith.constant 50 : i32
    %lt3A_23 = vector.broadcast %lt3A : i32 to vector<8x64xi32>
    %lt3A_24 = arith.cmpi slt, %iota3A, %lt3A_23 : vector<8x64xi32>
    %sub3A = vector.broadcast %slice3A_22 : vector<8x1xf32> to vector<8x64xf32>
    %sub3A_25 = arith.subf %scan3A_21#1, %sub3A : vector<8x64xf32>
    %exp3A = math.exp %sub3A_25 : vector<8x64xf32>
    %jit3A = arith.constant 0.000000e+00 : f32
    %broadcast_in_dim3A_26 = vector.broadcast %jit3A : f32 to vector<8x64xf32>
    %select_n3A = arith.select %lt3A_24, %exp3A, %broadcast_in_dim3A_26 : vector<8x64xi1>, vector<8x64xf32>
    %reduce_sum3A = arith.constant dense<0.000000e+00> : vector<8xf32>
    %reduce_sum3A_27 = vector.multi_reduction <add>, %select_n3A, %reduce_sum3A [1] : vector<8x64xf32> to vector<8xf32>
    %broadcast_in_dim3A_28 = vector.shape_cast %reduce_sum3A_27 : vector<8xf32> to vector<8x1xf32>
    %iota3A_29 = tpu.iota {dimensions = array<i32: 0>} : vector<64x64xi32>
    %iota3A_30 = tpu.iota {dimensions = array<i32: 1>} : vector<64x64xi32>
    %lt3A_31 = arith.cmpi slt, %iota3A_29, %iota3A_30 : vector<64x64xi32>
    %convert_element_type3A = arith.extui %lt3A_31 : vector<64x64xi1> to vector<64x64xi32>
    %convert_element_type3A_32 = arith.sitofp %convert_element_type3A : vector<64x64xi32> to vector<64x64xf32>
    %dot_general3A = arith.constant dense<0.000000e+00> : vector<8x64xf32>
    %dot_general3A_33 = tpu.matmul %select_n3A, %convert_element_type3A_32, %dot_general3A {dimension_numbers = #tpu.dot_dimension_numbers<[1], [0], [0], [1], [0, 0, 1, 1], [], []>, precision = #tpu.contract_precision<fp32>, transpose_lhs_hint = false} : vector<8x64xf32>, vector<64x64xf32>, vector<8x64xf32> -> vector<8x64xf32>
    %mul3A = arith.constant 0.899999976 : f32
    %mul3A_34 = vector.broadcast %mul3A : f32 to vector<8x1xf32>
    %mul3A_35 = arith.mulf %mul3A_34, %broadcast_in_dim3A_28 : vector<8x1xf32>
    %le3A = vector.broadcast %mul3A_35 : vector<8x1xf32> to vector<8x64xf32>
    %le3A_36 = arith.cmpf ole, %dot_general3A_33, %le3A : vector<8x64xf32>
    %lt3A_37 = arith.constant 50 : i32
    %lt3A_38 = vector.broadcast %lt3A_37 : i32 to vector<8x64xi32>
    %lt3A_39 = arith.cmpi slt, %iota3A, %lt3A_38 : vector<8x64xi32>
    %and3A = arith.andi %le3A_36, %lt3A_39 : vector<8x64xi1>
    %jit3A_40 = arith.constant 0.000000e+00 : f32
    %broadcast_in_dim3A_41 = vector.broadcast %jit3A_40 : f32 to vector<8x64xf32>
    %select_n3A_42 = arith.select %and3A, %select_n3A, %broadcast_in_dim3A_41 : vector<8x64xi1>, vector<8x64xf32>
    %reduce_sum3A_43 = arith.constant dense<0.000000e+00> : vector<8xf32>
    %reduce_sum3A_44 = vector.multi_reduction <add>, %select_n3A_42, %reduce_sum3A_43 [1] : vector<8x64xf32> to vector<8xf32>
    %broadcast_in_dim3A_45 = vector.shape_cast %reduce_sum3A_44 : vector<8xf32> to vector<8x1xf32>
    %jit3A_46 = arith.constant 0x7F800000 : f32
    %broadcast_in_dim3A_47 = vector.broadcast %jit3A_46 : f32 to vector<8x64xf32>
    %select_n3A_48 = arith.select %and3A, %scan3A_21#1, %broadcast_in_dim3A_47 : vector<8x64xi1>, vector<8x64xf32>
    %reduce_min3A = arith.constant dense<0x7F800000> : vector<8xf32>
    %reduce_min3A_49 = vector.multi_reduction <minimumf>, %select_n3A_48, %reduce_min3A [1] : vector<8x64xf32> to vector<8xf32>
    %broadcast_in_dim3A_50 = vector.shape_cast %reduce_min3A_49 : vector<8xf32> to vector<8x1xf32>
    %ge3A = vector.broadcast %broadcast_in_dim3A_50 : vector<8x1xf32> to vector<8x100352xf32>
    %ge3A_51 = arith.cmpf oge, %get3A_1, %ge3A : vector<8x100352xf32>
    %sub3A_52 = vector.broadcast %slice3A_22 : vector<8x1xf32> to vector<8x100352xf32>
    %sub3A_53 = arith.subf %get3A_1, %sub3A_52 : vector<8x100352xf32>
    %exp3A_54 = math.exp %sub3A_53 : vector<8x100352xf32>
    %div3A = vector.broadcast %broadcast_in_dim3A_45 : vector<8x1xf32> to vector<8x100352xf32>
    %div3A_55 = arith.divf %exp3A_54, %div3A : vector<8x100352xf32>
    %jit3A_56 = arith.constant 0.000000e+00 : f32
    %broadcast_in_dim3A_57 = vector.broadcast %jit3A_56 : f32 to vector<8x100352xf32>
    %select_n3A_58 = arith.select %ge3A_51, %div3A_55, %broadcast_in_dim3A_57 : vector<8x100352xi1>, vector<8x100352xf32>
    %swap3A = arith.constant 0 : index
    %swap3A_59 = arith.constant 0 : index
    %swap3A_60 = vector.load %arg2[%swap3A, %swap3A_59] : memref<8x100352xf32, #tpu.memory_space<vmem>>, vector<8x100352xf32>
    tpu.vector_store %arg2[%swap3A, %swap3A_59], %select_n3A_58 {strides = array<i32>} : memref<8x100352xf32, #tpu.memory_space<vmem>>, vector<8x100352xf32>,
    return
  }
  func.func @transform_0(%arg0: i32) -> (i32, i32) {
    %c0_i32 = arith.constant 0 : i32
    %c0_i32_0 = arith.constant 0 : i32
    return %arg0, %c0_i32 : i32, i32
  }
  func.func @transform_1(%arg0: i32) -> (i32, i32) {
    %c0_i32 = arith.constant 0 : i32
    %c0_i32_0 = arith.constant 0 : i32
    return %arg0, %c0_i32 : i32, i32
  }
}

</mosaic_0001>

<sc_bundles>
// kernel: sparse-core-data-format-call.cloned.1.call-start
scs
called_computation_lowered:
.L_overlay_start_0:
0x0: {  	s2 =	sld [smem:$0x3FD9]  }
0x1: {  	s3 =	sld [smem:$0x3FFE];
	_ =	sdelay $0x1  }
0x2: {  	s1 =	srdreg.scid  }
0x3: {  	s0 =	sand.u32 $0x1, s1  }
0x4: {  	s18 =	sshll.u32 s0, $0xA;
	s2 =	sadd.s32 s3, s2  }
0x5: {  	s2 =	sadd.s32 s2, s18  }
0x6: {  	[smem:$0x3FC4] =	sst s2  }
0x7: {  	_ = 	snop  }
0x8: {  	s2 =	sld [smem:$0x3FD0];
	(tm) =	ssettm $0x1  }
0x9: {  	s19 =	sld [smem:$0x3FFB];
	_ =	sdelay $0x3  }
0xa: {  	_ =	strace s19  }
0xb: {  	s3 =	sld [smem:$0x3FFC];
	_ =	sdelay $0x3  }
0xc: {  	_ =	strace s3  }
0xd: {  	s3 =	sld [smem:$0x3FFD];
	_ =	sdelay $0x3  }
0xe: {  	_ =	strace s3  }
0xf: {  	_ =	strace $0x8FFFFFFF  }
0x10: {  	s20 =	sld [smem:$0x3FDB];
	_ =	sdelay $0x1  }
0x11: {  	s4 =	simm.s32 $_scs_section_size  }
0x12: {  	s5 =	simm.s32 $_size__tile_overlayer_lowered;
	s6 =	simm.s32 $_tile_overlayer_lowered  }
0x13: {  	s23 =	simm.s32 $0x1BFF;
	s22 =	sshll.u32 s6, $0x1;
	s3 =	sadd.s32 s4, s20  }
0x14: {  	s7 =	simm.s32 $0x0;
	s21 =	sshll.u32 s5, $0x1;
	s5 =	sadd.s32 s22, s3  }
0x15: {  	[timem:s7], [sflag:s23] =	dma.local [hbm:s5], s21  }
0x16: {  	_ =	swait.ge [sflag:s23], s21  }
0x17: {  	s4 =	ssub.s32 $0x0, s21;
	[sflag:s23] =	ssyncset.done $0x0  }
0x18: {  	[sflag:s23] =	ssyncadd.s32 s4;
	_ =	sdelay $0x1  }
0x19: {  	s24 =	simm.s32 $0x1B8B  }
0x1a: {  	_ =	swait.ge [sflag:s24], $0x1  }
0x1b: {  	[sflag:s24] =	ssyncset.done $0x0  }
0x1c: {  	s26 =	simm.s32 $0x1B8E;
	s25 =	sld [smem:$0x3FFE];
	[sflag:s24] =	ssyncadd.s32 $0xFFFFFFFF  }
0x1d: {  	s27 =	simm.s32 $execute0_lowered;
	[smem:$0x3FD2] =	sst s26  }
0x1e: {  	s5 =	sshll.u32 s27, $0x1;
	_ =	strace $0x80000046;
	[dreg:$0x1] =	wrdreg $0xFFFFFFFF  }
0x1f: {  	s28 =	simm.s32 $_size_execute0_lowered;
	s3 =	sadd.s32 s3, s5;
	[dreg:$0x0] =	wrdreg $0x0  }
0x20: {  	s5 =	sshll.u32 s28, $0x1;
	[dreg:$0x2] =	wrdreg s3  }
0x21: {  	[dreg:$0x3] =	wrdreg s5  }
0x22: {  	[dreg:$0x4] =	wrdreg $0xC0  }
0x23: {  	_ =	task [dreg:s7], $0x5FFFF  }
0x24: {  	[dreg:$0x1] =	wrdreg $0xFFFFFFFF  }
0x25: {  	[dreg:$0x0] =	wrdreg $0x60  }
0x26: {  	[dreg:$0x2] =	wrdreg s25  }
0x27: {  	[dreg:$0x3] =	wrdreg s2  }
0x28: {  	[dreg:$0x4] =	wrdreg $0x9  }
0x29: {  	_ =	task.clear_ibuf [dreg:s7], $0x5FFFF;
	_ =	strace $0x90000046  }
0x2a: {  	s29 =	simm.s32 $0x9;
	_ =	strace $0x80000048  }
0x2b: {  	_ =	swait.ge [sflag:s29], $0x1  }
0x2c: {  	[sflag:s29] =	ssyncadd.s32 $0xFFFFFFFF  }
0x2d: {  	_ =	strace $0x90000048  }
0x2e: {  	_ =	sfence  }
0x2f: {  	s30 =	sld [smem:$0x0];
	_ =	sdelay $0x2  }
0x30: {  	s31 =	sshll.u32 s1, $0xD;
	s1 =	sshrl.u32 s1, $0x2  }
0x31: {  	s3 =	sand.u32 $0x4000, s31;
	s1 =	sadd.s32 s1, s30  }
0x32: {  	s0 =	sor.u32 s3, s0;
	s1 =	sshll.u32 s1, $0x11  }
0x33: {  	s0 =	sor.u32 s1, s0  }
0x34: {  	s0 =	sadd.s32 $0x8F2B, s0  }
0x35: {  	[sflag:s0] =	ssyncadd.remote.s32 $0x1  }
0x36: {  	_ =	sfence.sel $0xFFFF  }
0x37: {  	[dreg:$0x0] =	wrdreg $0xFFFFFFFF;
	(pc) =	sbr.abs _section_cstart, $3  }
0x38: {  	[dreg:$0x1] =	wrdreg $0xFFFFFFFF  }
0x39: {  	_ =	task.clear_ibuf [dreg:s7], $0x2FFFF;
	_ =	strace $0x9FFFFFFF  }
0x3a: {  	(tm) =	ssettm $0x7FFFFFFF  }
0x3b: {  	_ =	shalt  }
tec
execute0_lowered:
.L_overlay_start_1:
0x0: {  	(tag) =	ssettag $0x1  }
0x1: {  	s4 =	rddreg [dreg:$0x0]  }
0x2: {  	s0 =	srdreg.scid;
	s2 =	rddreg [dreg:$0x1]  }
0x3: {  	s1 =	stileid.u32;
	s5 =	simm.s32 $0x1;
	s7 =	simm.s32 $0x2  }
0x4: {  	s14 =	simm.s32 $0x0;
	p0 =	por $0x0, $0x0;
	s0 =	sshll.u32 s0, $0x4  }
0x5: {  	s13 =	simm.s32 $0x0;
	s8 =	simm.s32 $0x0;
	s3 =	sand.u32 $0x10, s0  }
.Ltmp0:
0x6: {  	s9 =	simm.s32 $0x0;
	s3 =	sor.u32 s1, s3;
	(pc) =	sbr.rel .LBB1_1-.Ltmp0, $4  }
0x7: {  	s11 =	simm.s32 $0x0;
	s12 =	simm.s32 $0x0;
	s3 =	sshll.u32 s3, $0x7  }
0x8: {  	s0 =	rddreg [dreg:$0x2];
	_ =	strace $0x80000047;
	s6 =	ssub.s32 $0x18680, s3  }
0x9: {  	s4 =	sadd.s32 $0x600, s4;
	[sflag:s5] =	ssyncpa.u1 $0x0;
	s6 =	sshrl.u32 s6, $0xC  }
0xa: {  	[sflag:s7] =	ssyncpa.u1 $0x0;
	s10 =	smov.u32 s3;
	s7 =	sadd.s32 $0x2, s6  }
.LBB1_5:
0xb: {  	p1 =	slt.u32 s12, $0x2  }
0xc: {  	p2 =	sgt.s32 @!p1 s14, $0x18620  }
0xd: {  	s15 =	smov.u32 s14;
	s16 =	sshra.s32 @!p1 s14, $0x1F;
	p2 =	por !p2, p1  }
0xe: {  	s14 =	sand.u32 @!p1 s16, s14;
	s15 =	simm.s32 @p2 $0x18620  }
0xf: {  	s14 =	ssub.s32 @!p1 s15, s14;
	s15 =	ssub.s32 @!p1 $0x0, s13  }
0x10: {  	s17 =	smov.u32 s11;
	s16 =	sadd.s32 @!p1 $0xFFFE79E0, s14;
	s13 =	smin.u32 @!p1 s13, s15  }
0x11: {  	s14 =	ssub.s32 @!p1 $0x186A0, s14;
	p2 =	sgt.s32 @!p1 s16, $0x7F;
	p3 =	sgt.s32 @!p1 s13, $0x7F  }
0x12: {  	s13 =	ssub.s32 @!p1 $0x80, s13;
	p2 =	por !p2, p1;
	p3 =	por !p3, p1  }
0x13: {  	s15 =	sadd.s32 $0x1000, s10;
	s14 =	simm.s32 @!p2 $0x0;
	s13 =	simm.s32 @!p3 $0x0  }
0x14: {  	p2 =	sgt.s32 s15, $0x1869F;
	s13 =	smul.u32 @!p1 s13, s14;
	s14 =	sadd.s32 $0x80, s11  }
0x15: {  	s17 =	smov.u32 @p2 s14  }
0x16: {  	s15 =	smov.u32 @p2 s3;
	p2 =	sgt.s32 s17, $0x7F  }
0x17: {  	s17 =	simm.s32 @p2 $0x0;
	p2 =	sne.s32 s12, s7  }
.Ltmp1:
0x18: {  	p0 =	por !p0, !p0;
	s16 =	simm.s32 @!p1 $0x2;
	(pc) =	sbr.rel @!p2 .LBB1_6-.Ltmp1, $4  }
0x19: {  	s14 =	smov.u32 s8;
	s8 =	smov.u32 s10;
	s13 =	sand.u32 @!p1 $0x3FFFFFFF, s13  }
0x1a: {  	s10 =	smov.u32 s15;
	_ =	swait.ge @!p1 [sflag:s16], s13;
	s18 =	ssub.s32 @!p1 $0x0, s13  }
0x1b: {  	s13 =	smov.u32 s9;
	s12 =	sadd.s32 $0x1, s12;
	[sflag:s16] =	ssyncset.done @!p1 $0x0  }
0x1c: {  	s9 =	smov.u32 s11;
	s11 =	smov.u32 s17;
	[sflag:s16] =	ssyncadd.s32 @!p1 s18  }
.LBB1_1:
0x1d: {  	p1 =	sgt.u32 s12, s6  }
0x1e: {  	s15 =	sshrl.u32 @!p1 s11, $0x3  }
0x1f: {  	s16 =	sshll.u32 @!p1 s10, $0x3;
	s15 =	smul.u32 @!p1 $0xC3800, s15  }
0x20: {  	s17 =	sshll.u32 @!p1 s11, $0x7;
	s16 =	sand.u32 @!p1 $0xFFFFFC00, s16  }
0x21: {  	s15 =	sadd.s32 @!p1 s15, s16;
	s16 =	sand.u32 @!p1 $0x380, s17  }
0x22: {  	s17 =	sand.u32 @!p1 $0x7F, s10;
	s15 =	sor.u32 @!p1 s16, s15  }
0x23: {  	s16 =	sor.u32 @!p1 s17, s15  }
0x24: {  	s17 =	smulhi.u32 @!p1 $0xA79C7B17, s16;
	_ =	sdelay $0x1  }
0x25: {  	s15 =	smulhi.u32 @!p1 $0xA79C7B17, s15;
	s17 =	sshrl.u32 @!p1 s17, $0x10  }
0x26: {  	s17 =	smul.u32 @!p1 $0x18700, s17  }
0x27: {  	s18 =	sxor.u32 @!p1 $0xFFFFFFFF, s12;
	s15 =	sshrl.u32 @!p1 s15, $0x10  }
0x28: {  	s18 =	sshll.u32 @!p1 s18, $0xE;
	s15 =	sand.u32 @!p1 $0x7F, s15;
	s16 =	ssub.s32 @!p1 s16, s17  }
0x29: {  	s15 =	smul.u32 @!p1 $0x30E0, s15;
	s17 =	sshrl.u32 @!p1 s16, $0x3;
	s16 =	sand.u32 @!p1 $0x7, s16  }
0x2a: {  	s18 =	sand.u32 @!p1 $0x4000, s18;
	s17 =	sadd.s32 @!p1 s4, s17;
	s16 =	sshll.u32 @!p1 s16, $0x12  }
0x2b: {  	s15 =	sadd.s32 @!p1 s15, s17;
	s16 =	sor.u32 @!p1 $0x400, s16;
	s17 =	simm.s32 @!p1 $0xC3800  }
0x2c: {  	[tilespmem:s18], [sflag:$0x1] =	stream.strided.gather @!p1 [hbm4b:s15+s16], $0x4000, s17, s16, $0x38;
	[tilespmem:$0x10100] =	vst v63  }
0x2d: {  	p1 =	seq.s32 s12, $0x0  }
0x2e: {  	p2 =	sge.u32 @!p1 s12, s7  }
0x2f: {  	p1 =	por p1, p2  }
.Ltmp2:
0x30: {  	_ = 	snop;
	(pc) =	sbr.rel @p1 .LBB1_5-.Ltmp2, $1  }
0x31: {  	_ =	sdelay $0x3  }
0x32: {  	s15 =	simm.s32 $0x1  }
0x33: {  	_ =	swait.ge [sflag:s5], $0x4000;
	s15 =	simm.s32 @!p0 $0x0  }
0x34: {  	[sflag:s5] =	ssyncset.done $0x0;
	s16 =	sshll.u32 s15, $0xE  }
0x35: {  	[sflag:s5] =	ssyncadd.s32 $0xFFFFC000;
	s16 =	sor.u32 $0x40, s16  }
0x36: {  	s15 =	smul.u32 $0x10200, s15;
	v0 =	vld [tilespmem:s16+$0x30]  }
0x37: {  	v1 =	vld [tilespmem:s16+$0xFFFFFFD0]  }
0x38: {  	s15 =	sshrl.u32 s15, $0x2;
	v5 =	vld [tilespmem:s16+$0xFFFFFFE0]  }
0x39: {  	v6 =	vld [tilespmem:s16+$0xFFFFFFF0];
	s18 =	sor.u32 $0x8000, s15  }
0x3a: {  	s31 =	sand.u32 $0x1, s12;
	v4 =	vld [tilespmem:s16+$0x0];
	s17 =	sadd.s32 $0x0, s18  }
0x3b: {  	v3 =	vld [tilespmem:s16+$0x10];
	s15 =	smul.u32 $0x10200, s31;
	[tilespmem:s17+$0x3870 ss:$0x81] =	vst.msk $0xffff, v0  }
0x3c: {  	v2 =	vld [tilespmem:s16+$0x20];
	[tilespmem:s17+$0x810 ss:$0x81] =	vst.msk $0xffff, v1  }
0x3d: {  	s15 =	sshrl.u32 s15, $0x2;
	v0 =	vld [tilespmem:s16+$0xFFFFFFC0];
	[tilespmem:s17+$0x1020 ss:$0x81] =	vst.msk $0xffff, v5;
	s16 =	sadd.s32 $0x80, s16  }
0x3e: {  	s19 =	simm.s32 $0x4;
	s20 =	simm.s32 $0x8;
	s15 =	sor.u32 $0x8000, s15;
	[tilespmem:s17+$0x1830 ss:$0x81] =	vst.msk $0xffff, v6;
	v1 =	vld [tilespmem:s16+$0x30]  }
.LBB1_3:
0x3f: {  	p1 =	sne.s32 s20, $0x1FC;
	v5 =	vld [tilespmem:s16+$0xFFFFFFD0];
	[tilespmem:s17+$0x2040 ss:$0x81] =	vst.msk $0xffff, v4  }
0x40: {  	v6 =	vld [tilespmem:s16+$0xFFFFFFE0];
	[tilespmem:s17+$0x2850 ss:$0x81] =	vst.msk $0xffff, v3  }
0x41: {  	s21 =	sshra.s32 s19, $0x2;
	s19 =	smov.u32 s20;
	v7 =	vld [tilespmem:s16+$0xFFFFFFF0];
	[tilespmem:s17+$0x3060 ss:$0x81] =	vst.msk $0xffff, v2  }
.Ltmp3:
0x42: {  	v4 =	vld [tilespmem:s16+$0x0];
	[tilespmem:s17+$0x0 ss:$0x81] =	vst.msk $0xffff, v0;
	s17 =	sadd.s32 s21, s18;
	(pc) =	sbr.rel @p1 .LBB1_3-.Ltmp3, $4  }
0x43: {  	v3 =	vld [tilespmem:s16+$0x10];
	[tilespmem:s17+$0x3870 ss:$0x81] =	vst.msk $0xffff, v1  }
0x44: {  	[tilespmem:s17+$0x810 ss:$0x81] =	vst.msk $0xffff, v5;
	v2 =	vld [tilespmem:s16+$0x20]  }
0x45: {  	v0 =	vld [tilespmem:s16+$0xFFFFFFC0];
	[tilespmem:s17+$0x1020 ss:$0x81] =	vst.msk $0xffff, v6;
	s16 =	sadd.s32 $0x80, s16  }
0x46: {  	s20 =	sadd.s32 $0x4, s20;
	v1 =	vld [tilespmem:s16+$0x30];
	[tilespmem:s17+$0x1830 ss:$0x81] =	vst.msk $0xffff, v7  }
0x47: {  	s20 =	sshll.u32 s8, $0x7;
	s21 =	sshll.u32 s9, $0x3;
	s19 =	sshra.s32 s19, $0x2  }
0x48: {  	v5 =	vld [tilespmem:s16+$0xFFFFFFD0];
	[tilespmem:s17+$0x2040 ss:$0x81] =	vst.msk $0xffff, v4;
	p1 =	sgt.s32 s8, $0x18620;
	s22 =	sand.u32 $0xFFFFFC00, s20;
	s21 =	sand.u32 $0xFFFFFC00, s21  }
0x49: {  	v58 =	vld [tilespmem:s16+$0xFFFFFFE0];
	s24 =	sshra.s32 s8, $0x1F;
	s20 =	sand.u32 $0x380, s20;
	[tilespmem:s17+$0x2850 ss:$0x81] =	vst.msk $0xffff, v3;
	s21 =	sadd.s32 s21, s22  }
0x4a: {  	v59 =	vld [tilespmem:s16+$0xFFFFFFF0];
	s26 =	ssub.s32 $0x0, s9;
	s18 =	sadd.s32 s19, s18;
	[tilespmem:s17+$0x3060 ss:$0x81] =	vst.msk $0xffff, v2;
	s23 =	sor.u32 s20, s21  }
0x4b: {  	v60 =	vld [tilespmem:s16+$0x0];
	s28 =	smin.u32 s9, s26;
	s20 =	smov.u32 s8;
	[tilespmem:s17+$0x0 ss:$0x81] =	vst.msk $0xffff, v0;
	s19 =	sshrl.u32 s23, $0x7  }
0x4c: {  	v61 =	vld [tilespmem:s16+$0x10];
	s21 =	sand.u32 s24, s8;
	s20 =	simm.s32 @!p1 $0x18620;
	[tilespmem:s18+$0x3870 ss:$0x81] =	vst.msk $0xffff, v1;
	s25 =	smulhi.u32 $0x14F8B59, s19  }
0x4d: {  	v62 =	vld [tilespmem:s16+$0x20];
	s29 =	sshrl.u32 s9, $0x3;
	p2 =	sgt.s32 s28, $0x7F;
	s20 =	ssub.s32 s20, s21;
	[tilespmem:s18+$0x810 ss:$0x81] =	vst.msk $0xffff, v5  }
0x4e: {  	v63 =	vld [tilespmem:s16+$0xFFFFFFC0];
	[tilespmem:s18+$0x1020 ss:$0x81] =	vst.msk $0xffff, v58;
	s21 =	sadd.s32 $0xFFFE79E0, s20;
	s20 =	ssub.s32 $0x186A0, s20;
	s17 =	sshrl.u32 s25, $0x9  }
0x4f: {  	[tilespmem:s18+$0x1830 ss:$0x81] =	vst.msk $0xffff, v59;
	p1 =	sgt.s32 s21, $0x7F;
	s27 =	smul.u32 $0x186A0, s17;
	s17 =	ssub.s32 $0x80, s28  }
.Ltmp4:
0x50: {  	[tilespmem:s18+$0x2040 ss:$0x81] =	vst.msk $0xffff, v60;
	s20 =	simm.s32 @p1 $0x0;
	s17 =	simm.s32 @p2 $0x0;
	(pc) =	sbr.rel .LBB1_5-.Ltmp4, $4  }
0x51: {  	s30 =	sand.u32 $0xF, s29;
	[tilespmem:s18+$0x2850 ss:$0x81] =	vst.msk $0xffff, v61;
	s16 =	ssub.s32 s19, s27;
	s17 =	smul.u32 s17, s20  }
0x52: {  	[tilespmem:s18+$0x3060 ss:$0x81] =	vst.msk $0xffff, v62;
	s19 =	sadd.s32 s2, s30;
	s16 =	sshll.u32 s16, $0x4  }
0x53: {  	s31 =	sand.u32 $0x7, s9;
	[tilespmem:s18+$0x0 ss:$0x81] =	vst.msk $0xffff, v63;
	s17 =	sand.u32 $0x3FFFFFFF, s17;
	s16 =	sadd.s32 s16, s19  }
0x54: {  	[hbm4b:s16+s31] =	stream.linear.scatter [tilespmem:s15], [sflag:$0x2], s17, $0x20;
	[tilespmem:$0x10100] =	vst v63  }
.LBB1_6:
0x55: {  	_ =	sfence.sel $0x180000  }
0x56: {  	s2 =	simm.s32 $0x1;
	[bflag:$0x0] =	sbarrier.arrive $0xFFFF  }
0x57: {  	s31 =	simm.s32 $0x2;
	[sflag:s2] =	ssyncpa.u1 $0x1  }
0x58: {  	[sflag:s31] =	ssyncpa.u1 $0x1  }
0x59: {  	p0 =	sne.s32 s1, $0x0;
	_ =	strace $0x90000047  }
0x5a: {  	s0 =	sadd.s32 @!p0 $0x100000, s0;
	[bflag:$0x2] =	sbarrier.arrive $0xFFFF  }
0x5b: {  	[sflag:s0] =	ssyncadd.tile.s32 @!p0 $0x1;
	_ =	shalt  }
.Lfunc_end1:
_tile_overlayer_lowered:
.L_overlay_start_2:
0x5c: {  	(tag) =	ssettag $0x2  }
0x5d: {  	s0 =	rddreg [dreg:$0x0];
	s2 =	stileid.u32  }
0x5e: {  	s1 =	rddreg [dreg:$0x1];
	p0 =	sne.s32 s2, $0x0  }
0x5f: {  	s3 =	rddreg [dreg:$0x2];
	[bflag:$0x3] =	sbarrier.arrive $0xFFFF;
	s2 =	simm.s32 @!p0 $0x1C01  }
0x60: {  	[timem:s3], [sflag:s2] =	dma.local @!p0 [hbm:s0], s1  }
0x61: {  	s0 =	simm.s32 @!p0 $0x1  }
0x62: {  	_ =	swait.ge @!p0 [sflag:s0], s1  }
0x63: {  	s1 =	ssub.s32 @!p0 $0x0, s1;
	[sflag:s0] =	ssyncset.done @!p0 $0x0  }
0x64: {  	[sflag:s0] =	ssyncadd.s32 @!p0 s1  }
0x65: {  	[bflag:$0x3] =	sbarrier.arrive $0xFFFF  }
0x66: {  	_ =	shalt  }

</sc_bundles>
